<compile_context>
chip_gen: v7x
topology: tpu7x:2x2x1
jax: 0.10.2.dev20260603
libtpu: 0.0.44.dev20260713+nightly
codegen_flags: <defaults>
</compile_context>

<pallas_src>
import functools

import jax
import jax.numpy as jnp
from jax import lax
from jax.experimental import pallas as pl
from jax.experimental.pallas import tpu as pltpu
from jax.experimental.pallas import tpu_sc as plsc

N = 10000
E = 160000
D_IN = 128
G = 64
CHUNK = 128
NCHUNKS = 1280
E_PAD = NCHUNKS * CHUNK
NW = 32
CPW = NCHUNKS // NW
N_PAD = 10112
ROWS_PER_SUB = N_PAD // 16
BE = 2048
HIGH = lax.Precision.HIGHEST

_mesh = plsc.VectorSubcoreMesh(core_axis_name="c", subcore_axis_name="s")



@jax.jit
def _sc_gather(x, src_p):
    @functools.partial(
        pl.kernel,
        out_type=jax.ShapeDtypeStruct((E_PAD, D_IN), jnp.float32),
        mesh=_mesh,
        scratch_types=[
            pltpu.VMEM((CHUNK,), jnp.int32),
            pltpu.VMEM((CHUNK,), jnp.int32),
            pltpu.VMEM((CHUNK,), jnp.int32),
            pltpu.VMEM((CHUNK,), jnp.int32),
            pltpu.VMEM((CHUNK, D_IN), jnp.float32),
            pltpu.VMEM((CHUNK, D_IN), jnp.float32),
            pltpu.VMEM((CHUNK, D_IN), jnp.float32),
            pltpu.VMEM((CHUNK, D_IN), jnp.float32),
            pltpu.SemaphoreType.DMA,
            pltpu.SemaphoreType.DMA,
            pltpu.SemaphoreType.DMA,
            pltpu.SemaphoreType.DMA,
            pltpu.SemaphoreType.DMA,
            pltpu.SemaphoreType.DMA,
            pltpu.SemaphoreType.DMA,
            pltpu.SemaphoreType.DMA,
        ],
    )
    def k(x_hbm, src_hbm, out_hbm, iv0, iv1, iv2, iv3, rv0, rv1, rv2, rv3,
          sg0, sg1, sg2, sg3, sw0, sw1, sw2, sw3):
        c = lax.axis_index("c")
        s = lax.axis_index("s")
        w = s * 2 + c
        ivs, rvs = [iv0, iv1, iv2, iv3], [rv0, rv1, rv2, rv3]
        sgs, sws = [sg0, sg1, sg2, sg3], [sw0, sw1, sw2, sw3]

        def base(i):
            return (i * NW + w) * CHUNK

        def fetch_idx(i, b):
            pltpu.sync_copy(src_hbm.at[pl.ds(base(i), CHUNK)], ivs[b])

        def start_gather(b):
            pltpu.async_copy(x_hbm.at[ivs[b]], rvs[b], sgs[b])

        def wait_gather(b):
            pltpu.make_async_copy(x_hbm.at[ivs[b]], rvs[b], sgs[b]).wait()

        def start_wb(i, b):
            pltpu.async_copy(rvs[b], out_hbm.at[pl.ds(base(i), CHUNK)], sws[b])

        def wait_wb(i, b):
            pltpu.make_async_copy(rvs[b], out_hbm.at[pl.ds(base(i), CHUNK)],
                                  sws[b]).wait()

        for q in range(3):
            fetch_idx(q, q)
            start_gather(q)

        @pl.loop(0, CPW, step=4)
        def _(i):
            for b in range(4):
                ch = i + b
                b3 = (b + 3) % 4
                wait_gather(b)
                start_wb(ch, b)

                @pl.when(ch + 3 < CPW)
                def _():
                    fetch_idx(ch + 3, b3)

                    @pl.when(ch >= 1)
                    def _():
                        wait_wb(ch - 1, b3)

                    start_gather(b3)

        for q in range(4):
            wait_wb(CPW - 4 + q, q)

    return k(x, src_p)



def _edge_body(ea_ref, xj_ref, w1_ref, b1_ref, w2_ref, b2_ref, w3_ref, out_ref):
    i = pl.program_id(0)
    h = jnp.maximum(jnp.dot(ea_ref[...], w1_ref[...], precision=HIGH) + b1_ref[...], 0.0)
    h = jnp.maximum(jnp.dot(h, w2_ref[...], precision=HIGH) + b2_ref[...], 0.0)
    v2 = jnp.dot(xj_ref[...], w3_ref[...], precision=HIGH)
    cols = []
    for o in range(8):
        mo = jnp.sum(h * v2[:, o * 64:(o + 1) * 64], axis=1, keepdims=True)
        cols.append(mo + v2[:, 512 + o:513 + o])
    cols.append(jnp.zeros((BE, 120), jnp.float32))
    msg = jnp.concatenate(cols, axis=1)
    rid = i * BE + lax.broadcasted_iota(jnp.int32, (BE, 1), 0)
    out_ref[...] = jnp.where(rid < E, msg, 0.0)


@jax.jit
def _tc_edge(ea_p, xj, W1, b1, W2, b2, W3big):
    return pl.pallas_call(
        _edge_body,
        grid=(E_PAD // BE,),
        in_specs=[
            pl.BlockSpec((BE, 16), lambda i: (i, 0)),
            pl.BlockSpec((BE, D_IN), lambda i: (i, 0)),
            pl.BlockSpec((16, 128), lambda i: (0, 0)),
            pl.BlockSpec((1, 128), lambda i: (0, 0)),
            pl.BlockSpec((128, 64), lambda i: (0, 0)),
            pl.BlockSpec((1, 64), lambda i: (0, 0)),
            pl.BlockSpec((128, 528), lambda i: (0, 0)),
        ],
        out_specs=pl.BlockSpec((BE, 128), lambda i: (i, 0)),
        out_shape=jax.ShapeDtypeStruct((E_PAD, 128), jnp.float32),
    )(ea_p, xj, W1, b1, W2, b2, W3big)



@jax.jit
def _sc_scatter(msg, dst_p):
    @functools.partial(
        pl.kernel,
        out_type=jax.ShapeDtypeStruct((2 * N_PAD, 128), jnp.float32),
        mesh=_mesh,
        scratch_types=[
            pltpu.VMEM((CHUNK,), jnp.int32),
            pltpu.VMEM((CHUNK,), jnp.int32),
            pltpu.VMEM((CHUNK, 128), jnp.float32),
            pltpu.VMEM((CHUNK, 128), jnp.float32),
            pltpu.VMEM_SHARED((N_PAD, 128), jnp.float32),
            pltpu.SemaphoreType.DMA,
            pltpu.SemaphoreType.DMA,
        ],
        compiler_params=pltpu.CompilerParams(needs_layout_passes=False),
    )
    def k(msg_hbm, dst_hbm, out_hbm, iv0, iv1, rv0, rv1, acc, sm0, sm1):
        c = lax.axis_index("c")
        s = lax.axis_index("s")
        ivs, rvs, sms = [iv0, iv1], [rv0, rv1], [sm0, sm1]

        @pl.loop(0, CHUNK)
        def _(j):
            for kk in range(8):
                rv0[j, pl.ds(kk * 16, 16)] = jnp.zeros((16,), jnp.float32)

        for j in range(4):
            pltpu.sync_copy(rv0,
                            acc.at[pl.ds(s * ROWS_PER_SUB + j * CHUNK, CHUNK)])
        pltpu.sync_copy(rv0.at[pl.ds(0, ROWS_PER_SUB - 4 * CHUNK)],
                        acc.at[pl.ds(s * ROWS_PER_SUB + 4 * CHUNK,
                                     ROWS_PER_SUB - 4 * CHUNK)])
        plsc.subcore_barrier()

        def base(i):
            return (c * (NCHUNKS // 2) + i * 16 + s) * CHUNK

        def fetch(i, b):
            pltpu.sync_copy(dst_hbm.at[pl.ds(base(i), CHUNK)], ivs[b])
            pltpu.async_copy(msg_hbm.at[pl.ds(base(i), CHUNK)], rvs[b], sms[b])

        def wait_rows(i, b):
            pltpu.make_async_copy(msg_hbm.at[pl.ds(base(i), CHUNK)],
                                  rvs[b], sms[b]).wait()

        fetch(0, 0)

        @pl.loop(0, CPW, step=2)
        def _(i):
            for b in range(2):
                ch = i + b
                wait_rows(ch, b)

                @pl.when(ch + 1 < CPW)
                def _():
                    fetch(ch + 1, b ^ 1)

                pltpu.sync_copy(rvs[b], acc.at[ivs[b]], add=True)

        plsc.subcore_barrier()
        pltpu.sync_copy(acc.at[pl.ds(s * ROWS_PER_SUB, ROWS_PER_SUB)],
                        out_hbm.at[pl.ds(c * N_PAD + s * ROWS_PER_SUB, ROWS_PER_SUB)])

    return k(msg, dst_p)



def _node_body(aggp_ref, x_ref, root_ref, bc_ref, wg_ref, as_ref, ad_ref,
               t_ref):
    agg = aggp_ref[0, 0:N, 0:8] + aggp_ref[1, 0:N, 0:8]
    xr = jnp.dot(x_ref[...], root_ref[...], precision=HIGH)
    h1 = jnp.maximum(agg + xr + bc_ref[...], 0.0)
    hw = jnp.dot(h1, wg_ref[...], precision=HIGH)
    a_s = jnp.sum(hw * as_ref[...], axis=1, keepdims=True)
    a_d = jnp.sum(hw * ad_ref[...], axis=1, keepdims=True)
    zm = jnp.max(a_s) + jnp.max(a_d)
    ms = jnp.where(zm > 0, zm, 0.2 * zm)
    mcol = jnp.zeros((N, 1), jnp.float32) + ms
    t_ref[...] = jnp.concatenate(
        [hw, a_s, a_d, mcol, jnp.zeros((N, 61), jnp.float32)], axis=1)


@jax.jit
def _tc_node(aggp, x, root, b_conv, Wg, att_src, att_dst):
    return pl.pallas_call(
        _node_body,
        out_shape=jax.ShapeDtypeStruct((N, 128), jnp.float32),
    )(aggp.reshape(2, N_PAD, 128), x, root, b_conv.reshape(1, 8),
      Wg, att_src.reshape(1, 64), att_dst.reshape(1, 64))



@jax.jit
def _sc_gat(T, adm, idx2):
    @functools.partial(
        pl.kernel,
        out_type=jax.ShapeDtypeStruct((2 * N_PAD, 128), jnp.float32),
        mesh=_mesh,
        scratch_types=[
            pltpu.VMEM((2, CHUNK), jnp.int32),
            pltpu.VMEM((2, CHUNK), jnp.int32),
            pltpu.VMEM((CHUNK, 128), jnp.float32),
            pltpu.VMEM((CHUNK, 128), jnp.float32),
            pltpu.VMEM((88, 128), jnp.float32),
            pltpu.VMEM((CHUNK,), jnp.float32),
            pltpu.VMEM_SHARED((N_PAD, 128), jnp.float32),
            pltpu.SemaphoreType.DMA,
            pltpu.SemaphoreType.DMA,
        ],
        compiler_params=pltpu.CompilerParams(needs_layout_passes=False),
    )
    def k(t_hbm, adm_hbm, i2_hbm, out_hbm,
          ib0, ib1, sb0, sb1, adv, exbuf, acc, sg0, sg1):
        c = lax.axis_index("c")
        s = lax.axis_index("s")
        iota = lax.iota(jnp.int32, 16)
        ibs, sbs, sgs = [ib0, ib1], [sb0, sb1], [sg0, sg1]
        pltpu.sync_copy(adm_hbm, adv)
        mvec = plsc.load_gather(
            adv, [jnp.zeros((16,), jnp.int32) + 80, jnp.zeros((16,), jnp.int32)])

        @pl.loop(0, CHUNK)
        def _(j):
            for kk in range(8):
                sb0[j, pl.ds(kk * 16, 16)] = jnp.zeros((16,), jnp.float32)

        for j in range(4):
            pltpu.sync_copy(sb0,
                            acc.at[pl.ds(s * ROWS_PER_SUB + j * CHUNK, CHUNK)])
        pltpu.sync_copy(sb0.at[pl.ds(0, ROWS_PER_SUB - 4 * CHUNK)],
                        acc.at[pl.ds(s * ROWS_PER_SUB + 4 * CHUNK,
                                     ROWS_PER_SUB - 4 * CHUNK)])
        plsc.subcore_barrier()

        def chunk(i):
            return c * (NCHUNKS // 2) + i * 16 + s

        def fetch_idx(i, b):
            pltpu.sync_copy(i2_hbm.at[pl.ds(2 * chunk(i), 2)], ibs[b])

        def start_gather(b):
            pltpu.async_copy(t_hbm.at[ibs[b].at[0]], sbs[b], sgs[b])

        def wait_gather(b):
            pltpu.make_async_copy(t_hbm.at[ibs[b].at[0]], sbs[b], sgs[b]).wait()

        fetch_idx(0, 0)
        start_gather(0)
        fetch_idx(1, 1)

        @pl.loop(0, CPW, step=2)
        def _(i):
            for b in range(2):
                ch = i + b
                wait_gather(b)

                @pl.when(ch + 1 < CPW)
                def _():
                    start_gather(b ^ 1)

                base = chunk(ch) * CHUNK

                @pl.loop(0, 8)
                def _(g):
                    rowv = g * 16 + iota
                    c64 = jnp.zeros((16,), jnp.int32) + 64
                    a_sv = plsc.load_gather(sbs[b], [rowv, c64])
                    dstv = ibs[b][1, pl.ds(g * 16, 16)]
                    drow = lax.shift_right_logical(dstv, 7)
                    dcol = lax.bitwise_and(dstv, 127)
                    a_dv = plsc.load_gather(adv, [drow, dcol])
                    z = a_sv + a_dv
                    ev = jnp.where(z > 0, z, 0.2 * z)
                    exv = jnp.exp(ev - mvec)
                    gid = base + g * 16 + iota
                    exv = jnp.where(gid < E, exv, 0.0)
                    exbuf[pl.ds(g * 16, 16)] = exv

                @pl.loop(0, CHUNK)
                def _(j):
                    eb = plsc.load_gather(exbuf, [jnp.zeros((16,), jnp.int32) + j])
                    for kk in range(4):
                        sl = pl.ds(kk * 16, 16)
                        sbs[b][j, sl] = eb * sbs[b][j, sl]
                    ebm = jnp.where(iota == 0, eb, 0.0)
                    sbs[b][j, pl.ds(64, 16)] = ebm

                pltpu.sync_copy(sbs[b], acc.at[ibs[b].at[1]], add=True)

                @pl.when(ch + 2 < CPW)
                def _():
                    fetch_idx(ch + 2, b)

        plsc.subcore_barrier()
        pltpu.sync_copy(acc.at[pl.ds(s * ROWS_PER_SUB, ROWS_PER_SUB)],
                        out_hbm.at[pl.ds(c * N_PAD + s * ROWS_PER_SUB, ROWS_PER_SUB)])

    return k(T, adm, idx2)



def _final_body(gatp_ref, t_ref, batch_ref, bg_ref,
                wf1_ref, bf1_ref, wf2_ref, bf2_ref, wf3_ref, bf3_ref, out_ref):
    hw = t_ref[:, 0:64]
    a_s = t_ref[:, 64:65]
    a_d = t_ref[:, 65:66]
    m = t_ref[:, 66:67]
    zs = a_s + a_d
    es = jnp.where(zs > 0, zs, 0.2 * zs)
    ds = jnp.exp(es - m)
    num = gatp_ref[0, 0:N, 0:64] + gatp_ref[1, 0:N, 0:64] + ds * hw
    den = gatp_ref[0, 0:N, 64:65] + gatp_ref[1, 0:N, 64:65] + ds
    h2 = jnp.maximum(num / (den + 1e-16) + bg_ref[...], 0.0)
    gi = lax.broadcasted_iota(jnp.int32, (G, N), 0)
    onehot = (gi == batch_ref[...]).astype(jnp.float32)
    sums = jnp.dot(onehot, h2, precision=HIGH)
    cnt = jnp.sum(onehot, axis=1, keepdims=True)
    pooled = sums / jnp.maximum(cnt, 1.0)
    o = jnp.maximum(jnp.dot(pooled, wf1_ref[...], precision=HIGH) + bf1_ref[...], 0.0)
    o = jnp.maximum(jnp.dot(o, wf2_ref[...], precision=HIGH) + bf2_ref[...], 0.0)
    o = jnp.maximum(jnp.dot(o, wf3_ref[...], precision=HIGH) + bf3_ref[...], 0.0)
    out_ref[...] = o


@jax.jit
def _tc_final(gatp, T, batch, b_gat, Wf1, bf1, Wf2, bf2, Wf3, bf3):
    return pl.pallas_call(
        _final_body,
        out_shape=jax.ShapeDtypeStruct((G, 32), jnp.float32),
    )(gatp.reshape(2, N_PAD, 128), T, batch.reshape(1, N), b_gat.reshape(1, 64),
      Wf1, bf1.reshape(1, 128), Wf2, bf2.reshape(1, 64), Wf3, bf3.reshape(1, 32))


def kernel(x, edge_index, edge_attr, batch, W1, b1, W2, b2, W3, b3, root,
           b_conv, Wg, att_src, att_dst, b_gat, Wf1, bf1, Wf2, bf2, Wf3, bf3):
    src = edge_index[0]
    dst = edge_index[1]
    pad = E_PAD - E
    src_p = jnp.concatenate([src, jnp.zeros((pad,), src.dtype)])
    dst_p = jnp.concatenate([dst, jnp.zeros((pad,), dst.dtype)])
    ea_p = jnp.concatenate([edge_attr, jnp.zeros((pad, 16), edge_attr.dtype)])
    idx2 = jnp.stack([src_p.reshape(NCHUNKS, CHUNK),
                      dst_p.reshape(NCHUNKS, CHUNK)], axis=1).reshape(2 * NCHUNKS, CHUNK)

    W3r = W3.reshape(64, 128, 8)
    W3m2 = W3r.transpose(1, 2, 0).reshape(128, 512)
    b3r = b3.reshape(128, 8)
    W3big = jnp.concatenate([W3m2, b3r, jnp.zeros((128, 8), jnp.float32)], axis=1)

    xj = _sc_gather(x, src_p)
    msg = _tc_edge(ea_p, xj, W1, b1.reshape(1, 128), W2, b2.reshape(1, 64), W3big)
    aggp = _sc_scatter(msg, dst_p)
    T = _tc_node(aggp, x, root, b_conv, Wg, att_src, att_dst)
    adm = jnp.concatenate(
        [jnp.pad(T[:, 65], (0, 10240 - N)).reshape(80, 128),
         jnp.broadcast_to(T[0:1, 66:67], (8, 128))], axis=0)
    gatp = _sc_gat(T, adm, idx2)
    return _tc_final(gatp, T, batch, b_gat, Wf1, bf1, Wf2, bf2, Wf3, bf3)

# --- scband reference (transcript-rebuilt; emitter-appended) ---
"""Pipeline reference for scband-gnn-encoder-19327352832219 (READ-ONLY COPY).

The authoritative reference and input builder live on the scoring server;
editing this copy changes nothing except your own understanding.
"""

import jax, jax.numpy as jnp
import numpy as np

N = 10000
E = 160000
D_IN = 128
D_E = 16
H0, H1, H2, H3, H4 = 8, 64, 128, 64, 32
G = 64


def setup_inputs(seed: int = 0) -> dict:
    key = jax.random.key(seed)
    ks = [jax.random.fold_in(key, i) for i in range(32)]
    inp = {}
    inp['x'] = jax.random.normal(ks[0], (N, D_IN), dtype=jnp.float32)
    inp['edge_index'] = jax.random.randint(ks[1], (2, E), 0, N)
    inp['edge_attr'] = jax.random.normal(ks[2], (E, D_E), dtype=jnp.float32)
    inp['batch'] = jnp.sort(jax.random.randint(ks[3], (N,), 0, G))
    s = 0.1
    # EdgeMLP: 16 -> 128 -> 64 -> (D_IN * H0)
    inp['W1'] = jax.random.normal(ks[4], (D_E, 128), dtype=jnp.float32) * s
    inp['b1'] = jnp.zeros((128,), jnp.float32)
    inp['W2'] = jax.random.normal(ks[5], (128, 64), dtype=jnp.float32) * s
    inp['b2'] = jnp.zeros((64,), jnp.float32)
    inp['W3'] = jax.random.normal(ks[6], (64, D_IN * H0), dtype=jnp.float32) * s
    inp['b3'] = jnp.zeros((D_IN * H0,), jnp.float32)
    # NNConv root weight + bias
    inp['root'] = jax.random.normal(ks[7], (D_IN, H0), dtype=jnp.float32) * s
    inp['b_conv'] = jnp.zeros((H0,), jnp.float32)
    # GATConv (1 head, concat=False)
    inp['Wg'] = jax.random.normal(ks[8], (H0, H1), dtype=jnp.float32) * s
    inp['att_src'] = jax.random.normal(ks[9], (H1,), dtype=jnp.float32) * s
    inp['att_dst'] = jax.random.normal(ks[10], (H1,), dtype=jnp.float32) * s
    inp['b_gat'] = jnp.zeros((H1,), jnp.float32)
    # fc layers
    inp['Wf1'] = jax.random.normal(ks[11], (H1, H2), dtype=jnp.float32) * s
    inp['bf1'] = jnp.zeros((H2,), jnp.float32)
    inp['Wf2'] = jax.random.normal(ks[12], (H2, H3), dtype=jnp.float32) * s
    inp['bf2'] = jnp.zeros((H3,), jnp.float32)
    inp['Wf3'] = jax.random.normal(ks[13], (H3, H4), dtype=jnp.float32) * s
    inp['bf3'] = jnp.zeros((H4,), jnp.float32)
    return inp


def _forward(x, edge_attr, W1, b1, W2, b2, W3, b3, root, b_conv, Wg, att_src, att_dst, b_gat, Wf1, bf1, Wf2, bf2, Wf3, bf3, edge_index, batch):
    src = edge_index[0]
    dst = edge_index[1]
    # --- NNConv: edge-conditioned conv ---
    h = jax.nn.relu(edge_attr @ W1 + b1)
    h = jax.nn.relu(h @ W2 + b2)
    we = (h @ W3 + b3).reshape(E, D_IN, H0)
    x_j = x[src]
    msg = jnp.einsum('ei,eio->eo', x_j, we)
    agg = jax.ops.segment_sum(msg, dst, num_segments=N)
    h1 = jax.nn.relu(agg + x @ root + b_conv)
    # --- GATConv, 1 head, concat=False, add self loops ---
    ar = jnp.arange(N)
    s2 = jnp.concatenate([src, ar])
    d2 = jnp.concatenate([dst, ar])
    hw = h1 @ Wg
    a_s = hw @ att_src
    a_d = hw @ att_dst
    e = jax.nn.leaky_relu(a_s[s2] + a_d[d2], 0.2)
    m = jax.ops.segment_max(e, d2, num_segments=N)
    ex = jnp.exp(e - m[d2])
    denom = jax.ops.segment_sum(ex, d2, num_segments=N)
    alpha = ex / (denom[d2] + 1e-16)
    h2 = jax.ops.segment_sum(alpha[:, None] * hw[s2], d2, num_segments=N) + b_gat
    h2 = jax.nn.relu(h2)
    # --- global mean pool ---
    sums = jax.ops.segment_sum(h2, batch, num_segments=G)
    cnt = jax.ops.segment_sum(jnp.ones((N,), jnp.float32), batch, num_segments=G)
    pooled = sums / jnp.maximum(cnt, 1.0)[:, None]
    o = jax.nn.relu(pooled @ Wf1 + bf1)
    o = jax.nn.relu(o @ Wf2 + bf2)
    o = jax.nn.relu(o @ Wf3 + bf3)
    return o


def reference(x, edge_index, edge_attr, batch, W1, b1, W2, b2, W3, b3, root, b_conv, Wg, att_src, att_dst, b_gat, Wf1, bf1, Wf2, bf2, Wf3, bf3):
    return _forward(x, edge_attr, W1, b1, W2, b2, W3, b3, root, b_conv, Wg, att_src, att_dst, b_gat, Wf1, bf1, Wf2, bf2, Wf3, bf3, edge_index, batch)

if __name__ == "__main__":
    import jax
    _d = setup_inputs()
    print(jax.jit(kernel)(*tuple(_d.values())))

</pallas_src>

<mosaic_0001>
#map = affine_map<(d0, d1) -> (0, 0)>
#map1 = affine_map<(d0, d1) -> (0)>
module attributes {stable_mosaic.version = 14 : i64} {
  func.func @k(%arg0: i32, %arg1: i32, %arg2: memref<10000x128xf32, #tpu.memory_space<hbm>>, %arg3: memref<163840xi32, #tpu.memory_space<hbm>>, %arg4: memref<163840x128xf32, #tpu.memory_space<hbm>>, %arg5: memref<128xi32, #tpu.memory_space<vmem>>, %arg6: memref<128xi32, #tpu.memory_space<vmem>>, %arg7: memref<128xi32, #tpu.memory_space<vmem>>, %arg8: memref<128xi32, #tpu.memory_space<vmem>>, %arg9: memref<128x128xf32, #tpu.memory_space<vmem>>, %arg10: memref<128x128xf32, #tpu.memory_space<vmem>>, %arg11: memref<128x128xf32, #tpu.memory_space<vmem>>, %arg12: memref<128x128xf32, #tpu.memory_space<vmem>>, %arg13: memref<!tpu.dma_semaphore, #tpu.memory_space<semaphore_mem>>, %arg14: memref<!tpu.dma_semaphore, #tpu.memory_space<semaphore_mem>>, %arg15: memref<!tpu.dma_semaphore, #tpu.memory_space<semaphore_mem>>, %arg16: memref<!tpu.dma_semaphore, #tpu.memory_space<semaphore_mem>>, %arg17: memref<!tpu.dma_semaphore, #tpu.memory_space<semaphore_mem>>, %arg18: memref<!tpu.dma_semaphore, #tpu.memory_space<semaphore_mem>>, %arg19: memref<!tpu.dma_semaphore, #tpu.memory_space<semaphore_mem>>, %arg20: memref<!tpu.dma_semaphore, #tpu.memory_space<semaphore_mem>>) attributes {dimension_semantics = [#tpu.dimension_semantics<core_parallel>, #tpu.dimension_semantics<subcore_parallel>], iteration_bounds = array<i64: 2, 16>, scalar_prefetch = 0 : i64, scratch_operands = 16 : i64, tpu.core_type = #tpu.core_type<sc_vector_subcore>, window_params = [{transform_indices = #map}, {transform_indices = #map1}, {transform_indices = #map}]} {
    %mul3A = arith.constant 2 : i32
    %mul3A_0 = arith.muli %arg1, %mul3A : i32
    %add3A = arith.addi %mul3A_0, %arg0 : i32
    %add3A_1 = arith.constant 0 : i32
    %add3A_2 = arith.addi %add3A_1, %add3A : i32
    %mul3A_3 = arith.constant 128 : i32
    %mul3A_4 = arith.muli %add3A_2, %mul3A_3 : i32
    "tpu.region"() ({
      %run_scoped3A = tpu.sem_alloc : memref<!tpu.dma_semaphore, #tpu.memory_space<semaphore_mem>>
      %dma_start3A_56 = tpu.memref_slice %arg3[%mul3A_4] : memref<163840xi32, #tpu.memory_space<hbm>> -> memref<128xi32, #tpu.memory_space<hbm>>
      %dma_start3A_57 = tpu.memref_slice %arg3[%mul3A_4] : memref<163840xi32, #tpu.memory_space<hbm>> -> memref<128xi32, #tpu.memory_space<hbm>>
      tpu.enqueue_dma source(%dma_start3A_57 : memref<128xi32, #tpu.memory_space<hbm>>) target(%arg5 : memref<128xi32, #tpu.memory_space<vmem>>) target_semaphore(%run_scoped3A : memref<!tpu.dma_semaphore, #tpu.memory_space<semaphore_mem>>)
      %dma_wait3A_58 = tpu.memref_slice %arg3[%mul3A_4] : memref<163840xi32, #tpu.memory_space<hbm>> -> memref<128xi32, #tpu.memory_space<hbm>>
      %dma_wait3A_59 = tpu.memref_slice %arg3[%mul3A_4] : memref<163840xi32, #tpu.memory_space<hbm>> -> memref<128xi32, #tpu.memory_space<hbm>>
      tpu.wait_dma2 semaphore(%run_scoped3A : memref<!tpu.dma_semaphore, #tpu.memory_space<semaphore_mem>>) src(%dma_wait3A_59 : memref<128xi32, #tpu.memory_space<hbm>>) dst(%arg5 : memref<128xi32, #tpu.memory_space<vmem>>)
      tpu.yield
    }) : () -> ()
    %dma_start3A = arith.constant 0 : i32
    %dma_start3A_5 = arith.constant 0 : i32
    %dma_start3A_6 = tpu.memref_slice %arg2[%dma_start3A, %dma_start3A_5] : memref<10000x128xf32, #tpu.memory_space<hbm>> -> memref<10000x128xf32, #tpu.memory_space<hbm>>
    tpu.enqueue_indirect_dma source(%dma_start3A_6 : memref<10000x128xf32, #tpu.memory_space<hbm>>) target(%arg9 : memref<128x128xf32, #tpu.memory_space<vmem>>) offsets(%arg5 : memref<128xi32, #tpu.memory_space<vmem>>) semaphore(%arg13 : memref<!tpu.dma_semaphore, #tpu.memory_space<semaphore_mem>>)
    %add3A_7 = arith.constant 32 : i32
    %add3A_8 = arith.addi %add3A_7, %add3A : i32
    %mul3A_9 = arith.constant 128 : i32
    %mul3A_10 = arith.muli %add3A_8, %mul3A_9 : i32
    "tpu.region"() ({
      %run_scoped3A = tpu.sem_alloc : memref<!tpu.dma_semaphore, #tpu.memory_space<semaphore_mem>>
      %dma_start3A_56 = tpu.memref_slice %arg3[%mul3A_10] : memref<163840xi32, #tpu.memory_space<hbm>> -> memref<128xi32, #tpu.memory_space<hbm>>
      %dma_start3A_57 = tpu.memref_slice %arg3[%mul3A_10] : memref<163840xi32, #tpu.memory_space<hbm>> -> memref<128xi32, #tpu.memory_space<hbm>>
      tpu.enqueue_dma source(%dma_start3A_57 : memref<128xi32, #tpu.memory_space<hbm>>) target(%arg6 : memref<128xi32, #tpu.memory_space<vmem>>) target_semaphore(%run_scoped3A : memref<!tpu.dma_semaphore, #tpu.memory_space<semaphore_mem>>)
      %dma_wait3A_58 = tpu.memref_slice %arg3[%mul3A_10] : memref<163840xi32, #tpu.memory_space<hbm>> -> memref<128xi32, #tpu.memory_space<hbm>>
      %dma_wait3A_59 = tpu.memref_slice %arg3[%mul3A_10] : memref<163840xi32, #tpu.memory_space<hbm>> -> memref<128xi32, #tpu.memory_space<hbm>>
      tpu.wait_dma2 semaphore(%run_scoped3A : memref<!tpu.dma_semaphore, #tpu.memory_space<semaphore_mem>>) src(%dma_wait3A_59 : memref<128xi32, #tpu.memory_space<hbm>>) dst(%arg6 : memref<128xi32, #tpu.memory_space<vmem>>)
      tpu.yield
    }) : () -> ()
    %dma_start3A_11 = arith.constant 0 : i32
    %dma_start3A_12 = arith.constant 0 : i32
    %dma_start3A_13 = tpu.memref_slice %arg2[%dma_start3A_11, %dma_start3A_12] : memref<10000x128xf32, #tpu.memory_space<hbm>> -> memref<10000x128xf32, #tpu.memory_space<hbm>>
    tpu.enqueue_indirect_dma source(%dma_start3A_13 : memref<10000x128xf32, #tpu.memory_space<hbm>>) target(%arg10 : memref<128x128xf32, #tpu.memory_space<vmem>>) offsets(%arg6 : memref<128xi32, #tpu.memory_space<vmem>>) semaphore(%arg14 : memref<!tpu.dma_semaphore, #tpu.memory_space<semaphore_mem>>)
    %add3A_14 = arith.constant 64 : i32
    %add3A_15 = arith.addi %add3A_14, %add3A : i32
    %mul3A_16 = arith.constant 128 : i32
    %mul3A_17 = arith.muli %add3A_15, %mul3A_16 : i32
    "tpu.region"() ({
      %run_scoped3A = tpu.sem_alloc : memref<!tpu.dma_semaphore, #tpu.memory_space<semaphore_mem>>
      %dma_start3A_56 = tpu.memref_slice %arg3[%mul3A_17] : memref<163840xi32, #tpu.memory_space<hbm>> -> memref<128xi32, #tpu.memory_space<hbm>>
      %dma_start3A_57 = tpu.memref_slice %arg3[%mul3A_17] : memref<163840xi32, #tpu.memory_space<hbm>> -> memref<128xi32, #tpu.memory_space<hbm>>
      tpu.enqueue_dma source(%dma_start3A_57 : memref<128xi32, #tpu.memory_space<hbm>>) target(%arg7 : memref<128xi32, #tpu.memory_space<vmem>>) target_semaphore(%run_scoped3A : memref<!tpu.dma_semaphore, #tpu.memory_space<semaphore_mem>>)
      %dma_wait3A_58 = tpu.memref_slice %arg3[%mul3A_17] : memref<163840xi32, #tpu.memory_space<hbm>> -> memref<128xi32, #tpu.memory_space<hbm>>
      %dma_wait3A_59 = tpu.memref_slice %arg3[%mul3A_17] : memref<163840xi32, #tpu.memory_space<hbm>> -> memref<128xi32, #tpu.memory_space<hbm>>
      tpu.wait_dma2 semaphore(%run_scoped3A : memref<!tpu.dma_semaphore, #tpu.memory_space<semaphore_mem>>) src(%dma_wait3A_59 : memref<128xi32, #tpu.memory_space<hbm>>) dst(%arg7 : memref<128xi32, #tpu.memory_space<vmem>>)
      tpu.yield
    }) : () -> ()
    %dma_start3A_18 = arith.constant 0 : i32
    %dma_start3A_19 = arith.constant 0 : i32
    %dma_start3A_20 = tpu.memref_slice %arg2[%dma_start3A_18, %dma_start3A_19] : memref<10000x128xf32, #tpu.memory_space<hbm>> -> memref<10000x128xf32, #tpu.memory_space<hbm>>
    tpu.enqueue_indirect_dma source(%dma_start3A_20 : memref<10000x128xf32, #tpu.memory_space<hbm>>) target(%arg11 : memref<128x128xf32, #tpu.memory_space<vmem>>) offsets(%arg7 : memref<128xi32, #tpu.memory_space<vmem>>) semaphore(%arg15 : memref<!tpu.dma_semaphore, #tpu.memory_space<semaphore_mem>>)
    %scan3A = arith.constant 0 : i32
    %scan3A_21 = arith.constant 10 : i32
    %scan3A_22 = arith.addi %scan3A, %scan3A_21 : i32
    %scan3A_23 = arith.constant 1 : i32
    scf.for %scan3A_56 = %scan3A to %scan3A_22 step %scan3A_23  : i32 {
      %mul3A_57 = arith.constant 4 : i32
      %mul3A_58 = arith.muli %scan3A_56, %mul3A_57 : i32
      %add3A_59 = arith.constant 0 : i32
      %add3A_60 = arith.addi %add3A_59, %mul3A_58 : i32
      %add3A_61 = arith.constant 0 : i32
      %add3A_62 = arith.addi %add3A_60, %add3A_61 : i32
      %dma_wait3A_63 = arith.constant 0 : i32
      %dma_wait3A_64 = arith.constant 0 : i32
      %dma_wait3A_65 = tpu.memref_slice %arg2[%dma_wait3A_63, %dma_wait3A_64] : memref<10000x128xf32, #tpu.memory_space<hbm>> -> memref<10000x128xf32, #tpu.memory_space<hbm>>
      tpu.wait_indirect_dma semaphore(%arg13 : memref<!tpu.dma_semaphore, #tpu.memory_space<semaphore_mem>>) src(%dma_wait3A_65 : memref<10000x128xf32, #tpu.memory_space<hbm>>) dst(%arg9 : memref<128x128xf32, #tpu.memory_space<vmem>>)
      %mul3A_66 = arith.constant 32 : i32
      %mul3A_67 = arith.muli %add3A_62, %mul3A_66 : i32
      %add3A_68 = arith.addi %mul3A_67, %add3A : i32
      %mul3A_69 = arith.constant 128 : i32
      %mul3A_70 = arith.muli %add3A_68, %mul3A_69 : i32
      %dma_start3A_71 = arith.constant 0 : i32
      %dma_start3A_72 = tpu.memref_slice %arg4[%mul3A_70, %dma_start3A_71] : memref<163840x128xf32, #tpu.memory_space<hbm>> -> memref<128x128xf32, #tpu.memory_space<hbm>>
      %dma_start3A_73 = arith.constant 0 : i32
      %dma_start3A_74 = tpu.memref_slice %arg4[%mul3A_70, %dma_start3A_73] : memref<163840x128xf32, #tpu.memory_space<hbm>> -> memref<128x128xf32, #tpu.memory_space<hbm>>
      tpu.enqueue_dma source(%arg9 : memref<128x128xf32, #tpu.memory_space<vmem>>) target(%dma_start3A_74 : memref<128x128xf32, #tpu.memory_space<hbm>>) target_semaphore(%arg17 : memref<!tpu.dma_semaphore, #tpu.memory_space<semaphore_mem>>)
      %add3A_75 = arith.constant 3 : i32
      %add3A_76 = arith.addi %add3A_62, %add3A_75 : i32
      %lt3A = arith.constant 40 : i32
      %lt3A_77 = arith.cmpi slt, %add3A_76, %lt3A : i32
      %convert_element_type3A = arith.extui %lt3A_77 : i1 to i32
      %cond3A = arith.constant 0 : i32
      %cond3A_78 = arith.cmpi ne, %convert_element_type3A, %cond3A : i32
      scf.if %cond3A_78 {
        %add3A_142 = arith.constant 3 : i32
        %add3A_143 = arith.addi %add3A_62, %add3A_142 : i32
        %mul3A_144 = arith.constant 32 : i32
        %mul3A_145 = arith.muli %add3A_143, %mul3A_144 : i32
        %add3A_146 = arith.addi %mul3A_145, %add3A : i32
        %mul3A_147 = arith.constant 128 : i32
        %mul3A_148 = arith.muli %add3A_146, %mul3A_147 : i32
        "tpu.region"() ({
          %run_scoped3A = tpu.sem_alloc : memref<!tpu.dma_semaphore, #tpu.memory_space<semaphore_mem>>
          %dma_start3A_156 = tpu.memref_slice %arg3[%mul3A_148] : memref<163840xi32, #tpu.memory_space<hbm>> -> memref<128xi32, #tpu.memory_space<hbm>>
          %dma_start3A_157 = tpu.memref_slice %arg3[%mul3A_148] : memref<163840xi32, #tpu.memory_space<hbm>> -> memref<128xi32, #tpu.memory_space<hbm>>
          tpu.enqueue_dma source(%dma_start3A_157 : memref<128xi32, #tpu.memory_space<hbm>>) target(%arg8 : memref<128xi32, #tpu.memory_space<vmem>>) target_semaphore(%run_scoped3A : memref<!tpu.dma_semaphore, #tpu.memory_space<semaphore_mem>>)
          %dma_wait3A_158 = tpu.memref_slice %arg3[%mul3A_148] : memref<163840xi32, #tpu.memory_space<hbm>> -> memref<128xi32, #tpu.memory_space<hbm>>
          %dma_wait3A_159 = tpu.memref_slice %arg3[%mul3A_148] : memref<163840xi32, #tpu.memory_space<hbm>> -> memref<128xi32, #tpu.memory_space<hbm>>
          tpu.wait_dma2 semaphore(%run_scoped3A : memref<!tpu.dma_semaphore, #tpu.memory_space<semaphore_mem>>) src(%dma_wait3A_159 : memref<128xi32, #tpu.memory_space<hbm>>) dst(%arg8 : memref<128xi32, #tpu.memory_space<vmem>>)
          tpu.yield
        }) : () -> ()
        %ge3A = arith.constant 1 : i32
        %ge3A_149 = arith.cmpi sge, %add3A_62, %ge3A : i32
        %convert_element_type3A_150 = arith.extui %ge3A_149 : i1 to i32
        %cond3A_151 = arith.constant 0 : i32
        %cond3A_152 = arith.cmpi ne, %convert_element_type3A_150, %cond3A_151 : i32
        scf.if %cond3A_152 {
          %sub3A = arith.constant 1 : i32
          %sub3A_156 = arith.subi %add3A_62, %sub3A : i32
          %mul3A_157 = arith.constant 32 : i32
          %mul3A_158 = arith.muli %sub3A_156, %mul3A_157 : i32
          %add3A_159 = arith.addi %mul3A_158, %add3A : i32
          %mul3A_160 = arith.constant 128 : i32
          %mul3A_161 = arith.muli %add3A_159, %mul3A_160 : i32
          %dma_wait3A_162 = arith.constant 0 : i32
          %dma_wait3A_163 = tpu.memref_slice %arg4[%mul3A_161, %dma_wait3A_162] : memref<163840x128xf32, #tpu.memory_space<hbm>> -> memref<128x128xf32, #tpu.memory_space<hbm>>
          %dma_wait3A_164 = arith.constant 0 : i32
          %dma_wait3A_165 = tpu.memref_slice %arg4[%mul3A_161, %dma_wait3A_164] : memref<163840x128xf32, #tpu.memory_space<hbm>> -> memref<128x128xf32, #tpu.memory_space<hbm>>
          tpu.wait_dma2 semaphore(%arg20 : memref<!tpu.dma_semaphore, #tpu.memory_space<semaphore_mem>>) src(%arg12 : memref<128x128xf32, #tpu.memory_space<vmem>>) dst(%dma_wait3A_165 : memref<128x128xf32, #tpu.memory_space<hbm>>)
        } else {
        }
        %dma_start3A_153 = arith.constant 0 : i32
        %dma_start3A_154 = arith.constant 0 : i32
        %dma_start3A_155 = tpu.memref_slice %arg2[%dma_start3A_153, %dma_start3A_154] : memref<10000x128xf32, #tpu.memory_space<hbm>> -> memref<10000x128xf32, #tpu.memory_space<hbm>>
        tpu.enqueue_indirect_dma source(%dma_start3A_155 : memref<10000x128xf32, #tpu.memory_space<hbm>>) target(%arg12 : memref<128x128xf32, #tpu.memory_space<vmem>>) offsets(%arg8 : memref<128xi32, #tpu.memory_space<vmem>>) semaphore(%arg16 : memref<!tpu.dma_semaphore, #tpu.memory_space<semaphore_mem>>)
      } else {
      }
      %add3A_79 = arith.constant 1 : i32
      %add3A_80 = arith.addi %add3A_60, %add3A_79 : i32
      %dma_wait3A_81 = arith.constant 0 : i32
      %dma_wait3A_82 = arith.constant 0 : i32
      %dma_wait3A_83 = tpu.memref_slice %arg2[%dma_wait3A_81, %dma_wait3A_82] : memref<10000x128xf32, #tpu.memory_space<hbm>> -> memref<10000x128xf32, #tpu.memory_space<hbm>>
      tpu.wait_indirect_dma semaphore(%arg14 : memref<!tpu.dma_semaphore, #tpu.memory_space<semaphore_mem>>) src(%dma_wait3A_83 : memref<10000x128xf32, #tpu.memory_space<hbm>>) dst(%arg10 : memref<128x128xf32, #tpu.memory_space<vmem>>)
      %mul3A_84 = arith.constant 32 : i32
      %mul3A_85 = arith.muli %add3A_80, %mul3A_84 : i32
      %add3A_86 = arith.addi %mul3A_85, %add3A : i32
      %mul3A_87 = arith.constant 128 : i32
      %mul3A_88 = arith.muli %add3A_86, %mul3A_87 : i32
      %dma_start3A_89 = arith.constant 0 : i32
      %dma_start3A_90 = tpu.memref_slice %arg4[%mul3A_88, %dma_start3A_89] : memref<163840x128xf32, #tpu.memory_space<hbm>> -> memref<128x128xf32, #tpu.memory_space<hbm>>
      %dma_start3A_91 = arith.constant 0 : i32
      %dma_start3A_92 = tpu.memref_slice %arg4[%mul3A_88, %dma_start3A_91] : memref<163840x128xf32, #tpu.memory_space<hbm>> -> memref<128x128xf32, #tpu.memory_space<hbm>>
      tpu.enqueue_dma source(%arg10 : memref<128x128xf32, #tpu.memory_space<vmem>>) target(%dma_start3A_92 : memref<128x128xf32, #tpu.memory_space<hbm>>) target_semaphore(%arg18 : memref<!tpu.dma_semaphore, #tpu.memory_space<semaphore_mem>>)
      %add3A_93 = arith.constant 3 : i32
      %add3A_94 = arith.addi %add3A_80, %add3A_93 : i32
      %lt3A_95 = arith.constant 40 : i32
      %lt3A_96 = arith.cmpi slt, %add3A_94, %lt3A_95 : i32
      %convert_element_type3A_97 = arith.extui %lt3A_96 : i1 to i32
      %cond3A_98 = arith.constant 0 : i32
      %cond3A_99 = arith.cmpi ne, %convert_element_type3A_97, %cond3A_98 : i32
      scf.if %cond3A_99 {
        %add3A_142 = arith.constant 3 : i32
        %add3A_143 = arith.addi %add3A_80, %add3A_142 : i32
        %mul3A_144 = arith.constant 32 : i32
        %mul3A_145 = arith.muli %add3A_143, %mul3A_144 : i32
        %add3A_146 = arith.addi %mul3A_145, %add3A : i32
        %mul3A_147 = arith.constant 128 : i32
        %mul3A_148 = arith.muli %add3A_146, %mul3A_147 : i32
        "tpu.region"() ({
          %run_scoped3A = tpu.sem_alloc : memref<!tpu.dma_semaphore, #tpu.memory_space<semaphore_mem>>
          %dma_start3A_156 = tpu.memref_slice %arg3[%mul3A_148] : memref<163840xi32, #tpu.memory_space<hbm>> -> memref<128xi32, #tpu.memory_space<hbm>>
          %dma_start3A_157 = tpu.memref_slice %arg3[%mul3A_148] : memref<163840xi32, #tpu.memory_space<hbm>> -> memref<128xi32, #tpu.memory_space<hbm>>
          tpu.enqueue_dma source(%dma_start3A_157 : memref<128xi32, #tpu.memory_space<hbm>>) target(%arg5 : memref<128xi32, #tpu.memory_space<vmem>>) target_semaphore(%run_scoped3A : memref<!tpu.dma_semaphore, #tpu.memory_space<semaphore_mem>>)
          %dma_wait3A_158 = tpu.memref_slice %arg3[%mul3A_148] : memref<163840xi32, #tpu.memory_space<hbm>> -> memref<128xi32, #tpu.memory_space<hbm>>
          %dma_wait3A_159 = tpu.memref_slice %arg3[%mul3A_148] : memref<163840xi32, #tpu.memory_space<hbm>> -> memref<128xi32, #tpu.memory_space<hbm>>
          tpu.wait_dma2 semaphore(%run_scoped3A : memref<!tpu.dma_semaphore, #tpu.memory_space<semaphore_mem>>) src(%dma_wait3A_159 : memref<128xi32, #tpu.memory_space<hbm>>) dst(%arg5 : memref<128xi32, #tpu.memory_space<vmem>>)
          tpu.yield
        }) : () -> ()
        %ge3A = arith.constant 1 : i32
        %ge3A_149 = arith.cmpi sge, %add3A_80, %ge3A : i32
        %convert_element_type3A_150 = arith.extui %ge3A_149 : i1 to i32
        %cond3A_151 = arith.constant 0 : i32
        %cond3A_152 = arith.cmpi ne, %convert_element_type3A_150, %cond3A_151 : i32
        scf.if %cond3A_152 {
          %sub3A = arith.constant 1 : i32
          %sub3A_156 = arith.subi %add3A_80, %sub3A : i32
          %mul3A_157 = arith.constant 32 : i32
          %mul3A_158 = arith.muli %sub3A_156, %mul3A_157 : i32
          %add3A_159 = arith.addi %mul3A_158, %add3A : i32
          %mul3A_160 = arith.constant 128 : i32
          %mul3A_161 = arith.muli %add3A_159, %mul3A_160 : i32
          %dma_wait3A_162 = arith.constant 0 : i32
          %dma_wait3A_163 = tpu.memref_slice %arg4[%mul3A_161, %dma_wait3A_162] : memref<163840x128xf32, #tpu.memory_space<hbm>> -> memref<128x128xf32, #tpu.memory_space<hbm>>
          %dma_wait3A_164 = arith.constant 0 : i32
          %dma_wait3A_165 = tpu.memref_slice %arg4[%mul3A_161, %dma_wait3A_164] : memref<163840x128xf32, #tpu.memory_space<hbm>> -> memref<128x128xf32, #tpu.memory_space<hbm>>
          tpu.wait_dma2 semaphore(%arg17 : memref<!tpu.dma_semaphore, #tpu.memory_space<semaphore_mem>>) src(%arg9 : memref<128x128xf32, #tpu.memory_space<vmem>>) dst(%dma_wait3A_165 : memref<128x128xf32, #tpu.memory_space<hbm>>)
        } else {
        }
        %dma_start3A_153 = arith.constant 0 : i32
        %dma_start3A_154 = arith.constant 0 : i32
        %dma_start3A_155 = tpu.memref_slice %arg2[%dma_start3A_153, %dma_start3A_154] : memref<10000x128xf32, #tpu.memory_space<hbm>> -> memref<10000x128xf32, #tpu.memory_space<hbm>>
        tpu.enqueue_indirect_dma source(%dma_start3A_155 : memref<10000x128xf32, #tpu.memory_space<hbm>>) target(%arg9 : memref<128x128xf32, #tpu.memory_space<vmem>>) offsets(%arg5 : memref<128xi32, #tpu.memory_space<vmem>>) semaphore(%arg13 : memref<!tpu.dma_semaphore, #tpu.memory_space<semaphore_mem>>)
      } else {
      }
      %add3A_100 = arith.constant 2 : i32
      %add3A_101 = arith.addi %add3A_60, %add3A_100 : i32
      %dma_wait3A_102 = arith.constant 0 : i32
      %dma_wait3A_103 = arith.constant 0 : i32
      %dma_wait3A_104 = tpu.memref_slice %arg2[%dma_wait3A_102, %dma_wait3A_103] : memref<10000x128xf32, #tpu.memory_space<hbm>> -> memref<10000x128xf32, #tpu.memory_space<hbm>>
      tpu.wait_indirect_dma semaphore(%arg15 : memref<!tpu.dma_semaphore, #tpu.memory_space<semaphore_mem>>) src(%dma_wait3A_104 : memref<10000x128xf32, #tpu.memory_space<hbm>>) dst(%arg11 : memref<128x128xf32, #tpu.memory_space<vmem>>)
      %mul3A_105 = arith.constant 32 : i32
      %mul3A_106 = arith.muli %add3A_101, %mul3A_105 : i32
      %add3A_107 = arith.addi %mul3A_106, %add3A : i32
      %mul3A_108 = arith.constant 128 : i32
      %mul3A_109 = arith.muli %add3A_107, %mul3A_108 : i32
      %dma_start3A_110 = arith.constant 0 : i32
      %dma_start3A_111 = tpu.memref_slice %arg4[%mul3A_109, %dma_start3A_110] : memref<163840x128xf32, #tpu.memory_space<hbm>> -> memref<128x128xf32, #tpu.memory_space<hbm>>
      %dma_start3A_112 = arith.constant 0 : i32
      %dma_start3A_113 = tpu.memref_slice %arg4[%mul3A_109, %dma_start3A_112] : memref<163840x128xf32, #tpu.memory_space<hbm>> -> memref<128x128xf32, #tpu.memory_space<hbm>>
      tpu.enqueue_dma source(%arg11 : memref<128x128xf32, #tpu.memory_space<vmem>>) target(%dma_start3A_113 : memref<128x128xf32, #tpu.memory_space<hbm>>) target_semaphore(%arg19 : memref<!tpu.dma_semaphore, #tpu.memory_space<semaphore_mem>>)
      %add3A_114 = arith.constant 3 : i32
      %add3A_115 = arith.addi %add3A_101, %add3A_114 : i32
      %lt3A_116 = arith.constant 40 : i32
      %lt3A_117 = arith.cmpi slt, %add3A_115, %lt3A_116 : i32
      %convert_element_type3A_118 = arith.extui %lt3A_117 : i1 to i32
      %cond3A_119 = arith.constant 0 : i32
      %cond3A_120 = arith.cmpi ne, %convert_element_type3A_118, %cond3A_119 : i32
      scf.if %cond3A_120 {
        %add3A_142 = arith.constant 3 : i32
        %add3A_143 = arith.addi %add3A_101, %add3A_142 : i32
        %mul3A_144 = arith.constant 32 : i32
        %mul3A_145 = arith.muli %add3A_143, %mul3A_144 : i32
        %add3A_146 = arith.addi %mul3A_145, %add3A : i32
        %mul3A_147 = arith.constant 128 : i32
        %mul3A_148 = arith.muli %add3A_146, %mul3A_147 : i32
        "tpu.region"() ({
          %run_scoped3A = tpu.sem_alloc : memref<!tpu.dma_semaphore, #tpu.memory_space<semaphore_mem>>
          %dma_start3A_156 = tpu.memref_slice %arg3[%mul3A_148] : memref<163840xi32, #tpu.memory_space<hbm>> -> memref<128xi32, #tpu.memory_space<hbm>>
          %dma_start3A_157 = tpu.memref_slice %arg3[%mul3A_148] : memref<163840xi32, #tpu.memory_space<hbm>> -> memref<128xi32, #tpu.memory_space<hbm>>
          tpu.enqueue_dma source(%dma_start3A_157 : memref<128xi32, #tpu.memory_space<hbm>>) target(%arg6 : memref<128xi32, #tpu.memory_space<vmem>>) target_semaphore(%run_scoped3A : memref<!tpu.dma_semaphore, #tpu.memory_space<semaphore_mem>>)
          %dma_wait3A_158 = tpu.memref_slice %arg3[%mul3A_148] : memref<163840xi32, #tpu.memory_space<hbm>> -> memref<128xi32, #tpu.memory_space<hbm>>
          %dma_wait3A_159 = tpu.memref_slice %arg3[%mul3A_148] : memref<163840xi32, #tpu.memory_space<hbm>> -> memref<128xi32, #tpu.memory_space<hbm>>
          tpu.wait_dma2 semaphore(%run_scoped3A : memref<!tpu.dma_semaphore, #tpu.memory_space<semaphore_mem>>) src(%dma_wait3A_159 : memref<128xi32, #tpu.memory_space<hbm>>) dst(%arg6 : memref<128xi32, #tpu.memory_space<vmem>>)
          tpu.yield
        }) : () -> ()
        %ge3A = arith.constant 1 : i32
        %ge3A_149 = arith.cmpi sge, %add3A_101, %ge3A : i32
        %convert_element_type3A_150 = arith.extui %ge3A_149 : i1 to i32
        %cond3A_151 = arith.constant 0 : i32
        %cond3A_152 = arith.cmpi ne, %convert_element_type3A_150, %cond3A_151 : i32
        scf.if %cond3A_152 {
          %sub3A = arith.constant 1 : i32
          %sub3A_156 = arith.subi %add3A_101, %sub3A : i32
          %mul3A_157 = arith.constant 32 : i32
          %mul3A_158 = arith.muli %sub3A_156, %mul3A_157 : i32
          %add3A_159 = arith.addi %mul3A_158, %add3A : i32
          %mul3A_160 = arith.constant 128 : i32
          %mul3A_161 = arith.muli %add3A_159, %mul3A_160 : i32
          %dma_wait3A_162 = arith.constant 0 : i32
          %dma_wait3A_163 = tpu.memref_slice %arg4[%mul3A_161, %dma_wait3A_162] : memref<163840x128xf32, #tpu.memory_space<hbm>> -> memref<128x128xf32, #tpu.memory_space<hbm>>
          %dma_wait3A_164 = arith.constant 0 : i32
          %dma_wait3A_165 = tpu.memref_slice %arg4[%mul3A_161, %dma_wait3A_164] : memref<163840x128xf32, #tpu.memory_space<hbm>> -> memref<128x128xf32, #tpu.memory_space<hbm>>
          tpu.wait_dma2 semaphore(%arg18 : memref<!tpu.dma_semaphore, #tpu.memory_space<semaphore_mem>>) src(%arg10 : memref<128x128xf32, #tpu.memory_space<vmem>>) dst(%dma_wait3A_165 : memref<128x128xf32, #tpu.memory_space<hbm>>)
        } else {
        }
        %dma_start3A_153 = arith.constant 0 : i32
        %dma_start3A_154 = arith.constant 0 : i32
        %dma_start3A_155 = tpu.memref_slice %arg2[%dma_start3A_153, %dma_start3A_154] : memref<10000x128xf32, #tpu.memory_space<hbm>> -> memref<10000x128xf32, #tpu.memory_space<hbm>>
        tpu.enqueue_indirect_dma source(%dma_start3A_155 : memref<10000x128xf32, #tpu.memory_space<hbm>>) target(%arg10 : memref<128x128xf32, #tpu.memory_space<vmem>>) offsets(%arg6 : memref<128xi32, #tpu.memory_space<vmem>>) semaphore(%arg14 : memref<!tpu.dma_semaphore, #tpu.memory_space<semaphore_mem>>)
      } else {
      }
      %add3A_121 = arith.constant 3 : i32
      %add3A_122 = arith.addi %add3A_60, %add3A_121 : i32
      %dma_wait3A_123 = arith.constant 0 : i32
      %dma_wait3A_124 = arith.constant 0 : i32
      %dma_wait3A_125 = tpu.memref_slice %arg2[%dma_wait3A_123, %dma_wait3A_124] : memref<10000x128xf32, #tpu.memory_space<hbm>> -> memref<10000x128xf32, #tpu.memory_space<hbm>>
      tpu.wait_indirect_dma semaphore(%arg16 : memref<!tpu.dma_semaphore, #tpu.memory_space<semaphore_mem>>) src(%dma_wait3A_125 : memref<10000x128xf32, #tpu.memory_space<hbm>>) dst(%arg12 : memref<128x128xf32, #tpu.memory_space<vmem>>)
      %mul3A_126 = arith.constant 32 : i32
      %mul3A_127 = arith.muli %add3A_122, %mul3A_126 : i32
      %add3A_128 = arith.addi %mul3A_127, %add3A : i32
      %mul3A_129 = arith.constant 128 : i32
      %mul3A_130 = arith.muli %add3A_128, %mul3A_129 : i32
      %dma_start3A_131 = arith.constant 0 : i32
      %dma_start3A_132 = tpu.memref_slice %arg4[%mul3A_130, %dma_start3A_131] : memref<163840x128xf32, #tpu.memory_space<hbm>> -> memref<128x128xf32, #tpu.memory_space<hbm>>
      %dma_start3A_133 = arith.constant 0 : i32
      %dma_start3A_134 = tpu.memref_slice %arg4[%mul3A_130, %dma_start3A_133] : memref<163840x128xf32, #tpu.memory_space<hbm>> -> memref<128x128xf32, #tpu.memory_space<hbm>>
      tpu.enqueue_dma source(%arg12 : memref<128x128xf32, #tpu.memory_space<vmem>>) target(%dma_start3A_134 : memref<128x128xf32, #tpu.memory_space<hbm>>) target_semaphore(%arg20 : memref<!tpu.dma_semaphore, #tpu.memory_space<semaphore_mem>>)
      %add3A_135 = arith.constant 3 : i32
      %add3A_136 = arith.addi %add3A_122, %add3A_135 : i32
      %lt3A_137 = arith.constant 40 : i32
      %lt3A_138 = arith.cmpi slt, %add3A_136, %lt3A_137 : i32
      %convert_element_type3A_139 = arith.extui %lt3A_138 : i1 to i32
      %cond3A_140 = arith.constant 0 : i32
      %cond3A_141 = arith.cmpi ne, %convert_element_type3A_139, %cond3A_140 : i32
      scf.if %cond3A_141 {
        %add3A_142 = arith.constant 3 : i32
        %add3A_143 = arith.addi %add3A_122, %add3A_142 : i32
        %mul3A_144 = arith.constant 32 : i32
        %mul3A_145 = arith.muli %add3A_143, %mul3A_144 : i32
        %add3A_146 = arith.addi %mul3A_145, %add3A : i32
        %mul3A_147 = arith.constant 128 : i32
        %mul3A_148 = arith.muli %add3A_146, %mul3A_147 : i32
        "tpu.region"() ({
          %run_scoped3A = tpu.sem_alloc : memref<!tpu.dma_semaphore, #tpu.memory_space<semaphore_mem>>
          %dma_start3A_156 = tpu.memref_slice %arg3[%mul3A_148] : memref<163840xi32, #tpu.memory_space<hbm>> -> memref<128xi32, #tpu.memory_space<hbm>>
          %dma_start3A_157 = tpu.memref_slice %arg3[%mul3A_148] : memref<163840xi32, #tpu.memory_space<hbm>> -> memref<128xi32, #tpu.memory_space<hbm>>
          tpu.enqueue_dma source(%dma_start3A_157 : memref<128xi32, #tpu.memory_space<hbm>>) target(%arg7 : memref<128xi32, #tpu.memory_space<vmem>>) target_semaphore(%run_scoped3A : memref<!tpu.dma_semaphore, #tpu.memory_space<semaphore_mem>>)
          %dma_wait3A_158 = tpu.memref_slice %arg3[%mul3A_148] : memref<163840xi32, #tpu.memory_space<hbm>> -> memref<128xi32, #tpu.memory_space<hbm>>
          %dma_wait3A_159 = tpu.memref_slice %arg3[%mul3A_148] : memref<163840xi32, #tpu.memory_space<hbm>> -> memref<128xi32, #tpu.memory_space<hbm>>
          tpu.wait_dma2 semaphore(%run_scoped3A : memref<!tpu.dma_semaphore, #tpu.memory_space<semaphore_mem>>) src(%dma_wait3A_159 : memref<128xi32, #tpu.memory_space<hbm>>) dst(%arg7 : memref<128xi32, #tpu.memory_space<vmem>>)
          tpu.yield
        }) : () -> ()
        %ge3A = arith.constant 1 : i32
        %ge3A_149 = arith.cmpi sge, %add3A_122, %ge3A : i32
        %convert_element_type3A_150 = arith.extui %ge3A_149 : i1 to i32
        %cond3A_151 = arith.constant 0 : i32
        %cond3A_152 = arith.cmpi ne, %convert_element_type3A_150, %cond3A_151 : i32
        scf.if %cond3A_152 {
          %sub3A = arith.constant 1 : i32
          %sub3A_156 = arith.subi %add3A_122, %sub3A : i32
          %mul3A_157 = arith.constant 32 : i32
          %mul3A_158 = arith.muli %sub3A_156, %mul3A_157 : i32
          %add3A_159 = arith.addi %mul3A_158, %add3A : i32
          %mul3A_160 = arith.constant 128 : i32
          %mul3A_161 = arith.muli %add3A_159, %mul3A_160 : i32
          %dma_wait3A_162 = arith.constant 0 : i32
          %dma_wait3A_163 = tpu.memref_slice %arg4[%mul3A_161, %dma_wait3A_162] : memref<163840x128xf32, #tpu.memory_space<hbm>> -> memref<128x128xf32, #tpu.memory_space<hbm>>
          %dma_wait3A_164 = arith.constant 0 : i32
          %dma_wait3A_165 = tpu.memref_slice %arg4[%mul3A_161, %dma_wait3A_164] : memref<163840x128xf32, #tpu.memory_space<hbm>> -> memref<128x128xf32, #tpu.memory_space<hbm>>
          tpu.wait_dma2 semaphore(%arg19 : memref<!tpu.dma_semaphore, #tpu.memory_space<semaphore_mem>>) src(%arg11 : memref<128x128xf32, #tpu.memory_space<vmem>>) dst(%dma_wait3A_165 : memref<128x128xf32, #tpu.memory_space<hbm>>)
        } else {
        }
        %dma_start3A_153 = arith.constant 0 : i32
        %dma_start3A_154 = arith.constant 0 : i32
        %dma_start3A_155 = tpu.memref_slice %arg2[%dma_start3A_153, %dma_start3A_154] : memref<10000x128xf32, #tpu.memory_space<hbm>> -> memref<10000x128xf32, #tpu.memory_space<hbm>>
        tpu.enqueue_indirect_dma source(%dma_start3A_155 : memref<10000x128xf32, #tpu.memory_space<hbm>>) target(%arg11 : memref<128x128xf32, #tpu.memory_space<vmem>>) offsets(%arg7 : memref<128xi32, #tpu.memory_space<vmem>>) semaphore(%arg15 : memref<!tpu.dma_semaphore, #tpu.memory_space<semaphore_mem>>)
      } else {
      }
    }
    %scan3A_24 = arith.constant 10 : i32
    %add3A_25 = arith.constant 1152 : i32
    %add3A_26 = arith.addi %add3A_25, %add3A : i32
    %mul3A_27 = arith.constant 128 : i32
    %mul3A_28 = arith.muli %add3A_26, %mul3A_27 : i32
    %dma_wait3A = arith.constant 0 : i32
    %dma_wait3A_29 = tpu.memref_slice %arg4[%mul3A_28, %dma_wait3A] : memref<163840x128xf32, #tpu.memory_space<hbm>> -> memref<128x128xf32, #tpu.memory_space<hbm>>
    %dma_wait3A_30 = arith.constant 0 : i32
    %dma_wait3A_31 = tpu.memref_slice %arg4[%mul3A_28, %dma_wait3A_30] : memref<163840x128xf32, #tpu.memory_space<hbm>> -> memref<128x128xf32, #tpu.memory_space<hbm>>
    tpu.wait_dma2 semaphore(%arg17 : memref<!tpu.dma_semaphore, #tpu.memory_space<semaphore_mem>>) src(%arg9 : memref<128x128xf32, #tpu.memory_space<vmem>>) dst(%dma_wait3A_31 : memref<128x128xf32, #tpu.memory_space<hbm>>)
    %add3A_32 = arith.constant 1184 : i32
    %add3A_33 = arith.addi %add3A_32, %add3A : i32
    %mul3A_34 = arith.constant 128 : i32
    %mul3A_35 = arith.muli %add3A_33, %mul3A_34 : i32
    %dma_wait3A_36 = arith.constant 0 : i32
    %dma_wait3A_37 = tpu.memref_slice %arg4[%mul3A_35, %dma_wait3A_36] : memref<163840x128xf32, #tpu.memory_space<hbm>> -> memref<128x128xf32, #tpu.memory_space<hbm>>
    %dma_wait3A_38 = arith.constant 0 : i32
    %dma_wait3A_39 = tpu.memref_slice %arg4[%mul3A_35, %dma_wait3A_38] : memref<163840x128xf32, #tpu.memory_space<hbm>> -> memref<128x128xf32, #tpu.memory_space<hbm>>
    tpu.wait_dma2 semaphore(%arg18 : memref<!tpu.dma_semaphore, #tpu.memory_space<semaphore_mem>>) src(%arg10 : memref<128x128xf32, #tpu.memory_space<vmem>>) dst(%dma_wait3A_39 : memref<128x128xf32, #tpu.memory_space<hbm>>)
    %add3A_40 = arith.constant 1216 : i32
    %add3A_41 = arith.addi %add3A_40, %add3A : i32
    %mul3A_42 = arith.constant 128 : i32
    %mul3A_43 = arith.muli %add3A_41, %mul3A_42 : i32
    %dma_wait3A_44 = arith.constant 0 : i32
    %dma_wait3A_45 = tpu.memref_slice %arg4[%mul3A_43, %dma_wait3A_44] : memref<163840x128xf32, #tpu.memory_space<hbm>> -> memref<128x128xf32, #tpu.memory_space<hbm>>
    %dma_wait3A_46 = arith.constant 0 : i32
    %dma_wait3A_47 = tpu.memref_slice %arg4[%mul3A_43, %dma_wait3A_46] : memref<163840x128xf32, #tpu.memory_space<hbm>> -> memref<128x128xf32, #tpu.memory_space<hbm>>
    tpu.wait_dma2 semaphore(%arg19 : memref<!tpu.dma_semaphore, #tpu.memory_space<semaphore_mem>>) src(%arg11 : memref<128x128xf32, #tpu.memory_space<vmem>>) dst(%dma_wait3A_47 : memref<128x128xf32, #tpu.memory_space<hbm>>)
    %add3A_48 = arith.constant 1248 : i32
    %add3A_49 = arith.addi %add3A_48, %add3A : i32
    %mul3A_50 = arith.constant 128 : i32
    %mul3A_51 = arith.muli %add3A_49, %mul3A_50 : i32
    %dma_wait3A_52 = arith.constant 0 : i32
    %dma_wait3A_53 = tpu.memref_slice %arg4[%mul3A_51, %dma_wait3A_52] : memref<163840x128xf32, #tpu.memory_space<hbm>> -> memref<128x128xf32, #tpu.memory_space<hbm>>
    %dma_wait3A_54 = arith.constant 0 : i32
    %dma_wait3A_55 = tpu.memref_slice %arg4[%mul3A_51, %dma_wait3A_54] : memref<163840x128xf32, #tpu.memory_space<hbm>> -> memref<128x128xf32, #tpu.memory_space<hbm>>
    tpu.wait_dma2 semaphore(%arg20 : memref<!tpu.dma_semaphore, #tpu.memory_space<semaphore_mem>>) src(%arg12 : memref<128x128xf32, #tpu.memory_space<vmem>>) dst(%dma_wait3A_55 : memref<128x128xf32, #tpu.memory_space<hbm>>)
    return
  }
}

</mosaic_0001>

<sc_bundles>
// kernel: _sc_gather.3.cloned.1.call-start
scs
__scs_entry_jumppad:
0x0: {  	(pc) =	sbr.rel $0x88, $3  }
0x1: {  	(tag) =	ssettag $0x0;
	lr =	simm.s32 $0x1  }
0x2: {  	[smem:$0x3F9F] =	sst lr;
	_ =	strace $0xD0000000  }
0x3: {  	_ = 	snop  }
0x4: {  	_ = 	snop  }
0x5: {  	_ = 	snop  }
0x6: {  	_ = 	snop  }
0x7: {  	_ = 	snop  }
__scs_overlays_trampoline_lowered:
0x8: {  	[smem:$0x3FAE] =	sst s0  }
0x9: {  	[smem:$0x3FAF] =	sst s1  }
0xa: {  	[smem:$0x3FB0] =	sst s2  }
0xb: {  	[smem:$0x3FB1] =	sst s3  }
0xc: {  	[smem:$0x3FB2] =	sst s4  }
0xd: {  	[smem:$0x3FB3] =	sst s5  }
0xe: {  	[smem:$0x3FB4] =	sst s6  }
0xf: {  	[smem:$0x3FB5] =	sst s7  }
0x10: {  	[smem:$0x3FB6] =	sst s8  }
0x11: {  	[smem:$0x3FB7] =	sst s9;
	s0 =	simm.s32 @!p0 $0x0  }
0x12: {  	s1 =	sld [smem:$0x3F9D];
	s0 =	simm.s32 @p0 $0x1  }
0x13: {  	[smem:$0x3FB8] =	sst s0;
	s0 =	simm.s32 @!p1 $0x0  }
0x14: {  	s2 =	sld [smem:$0x3F9C];
	s0 =	simm.s32 @p1 $0x1  }
0x15: {  	[smem:$0x3FB9] =	sst s0;
	s0 =	simm.s32 @!p2 $0x0  }
0x16: {  	s3 =	sld [smem:$0x3FDB];
	s0 =	simm.s32 @p2 $0x1  }
0x17: {  	s4 =	simm.s32 $0x1BF5;
	[smem:$0x3FBB] =	sst s0  }
0x18: {  	s0 =	sld [smem:$0x3F9E];
	_ =	swait.ge [sflag:s4], $0x0  }
0x19: {  	s7 =	sld [smem:$0x3F9F]  }
0x1a: {  	s8 =	sadd.s32 $0xFFFFE003, lr  }
0x1b: {  	s9 =	sadd.s32 $0xFFFFFEF7, lr;
	s5 =	simm.s32 $0xFFFFFFFF;
	p2 =	slt.u32 s8, $0xFFFFF086  }
0x1c: {  	p1 =	slt.u32 s9, $0xF7A;
	s5 =	simm.s32 @!p2 $0x0  }
0x1d: {  	s5 =	simm.s32 @p1 $0x1;
	p0 =	seq.s32 s7, s2  }
0x1e: {  	s7 =	smul.u32 @!p0 $0xF7A, s2;
	p2 =	seq.s32 @!p0 s5, $0x0  }
0x1f: {  	s9 =	smul.u32 $0xF7A, s1;
	s8 =	simm.s32 @!p0 $0x1BF5;
	p2 =	por !p2, p0  }
0x20: {  	[sflag:s8] =	ssyncset.s32 @!p0 $0xFFFFF086;
	s6 =	sadd.s32 @!p0 s3, s7;
	s7 =	simm.s32 @!p0 $0x108  }
0x21: {  	s3 =	sadd.s32 s3, s9;
	s6 =	sadd.s32 @!p0 $0x88, s6;
	s7 =	simm.s32 @p2 $0x1082  }
0x22: {  	[simem:s7], [sflag:s8] =	dma.local @!p0 [hbm:s6], $0xF7A  }
0x23: {  	s9 =	sor.u32 $0xD0000000, s2;
	s6 =	simm.s32 $0x108;
	_ =	swait.ge @!p0 [sflag:s8], $0x0  }
0x24: {  	s3 =	sadd.s32 $0x88, s3;
	s6 =	simm.s32 @!p1 $0x1082;
	[sflag:s4] =	ssyncset.s32 $0xFFFFF086  }
0x25: {  	[simem:s6], [sflag:s4] =	dma.local [hbm:s3], $0xF7A  }
0x26: {  	[smem:$0x3F9F] =	sst s1;
	(tag) =	ssettag s2;
	_ =	strace s9  }
0x27: {  	s1 =	sld [smem:$0x3FAF]  }
0x28: {  	s2 =	sld [smem:$0x3FB0]  }
0x29: {  	s4 =	sld [smem:$0x3FB2]  }
0x2a: {  	p0 =	seq.s32 s5, $0x0;
	s5 =	sld [smem:$0x3FB3]  }
0x2b: {  	s6 =	sld [smem:$0x3FB4]  }
0x2c: {  	s7 =	sld [smem:$0x3FB5]  }
0x2d: {  	s3 =	simm.s32 $0x108;
	s8 =	sld [smem:$0x3FB6]  }
0x2e: {  	s3 =	simm.s32 @!p0 $0x1082;
	s9 =	sld [smem:$0x3FB7]  }
0x2f: {  	lr =	sadd.s32 s0, s3;
	s0 =	sld [smem:$0x3FAE]  }
0x30: {  	s3 =	sld [smem:$0x3FB1]  }
0x31: {  	[smem:$0x3FBA] =	sst s10  }
0x32: {  	s10 =	sld [smem:$0x3FB8];
	_ =	sdelay $0x3  }
0x33: {  	p0 =	seq.s32 s10, $0x1;
	s10 =	sld [smem:$0x3FBA];
	_ =	sdelay $0x3  }
0x34: {  	[smem:$0x3FBA] =	sst s10  }
0x35: {  	s10 =	sld [smem:$0x3FB9];
	_ =	sdelay $0x3  }
0x36: {  	p1 =	seq.s32 s10, $0x1;
	s10 =	sld [smem:$0x3FBA];
	_ =	sdelay $0x3  }
0x37: {  	[smem:$0x3FBA] =	sst s10  }
0x38: {  	s10 =	sld [smem:$0x3FBB]  }
0x39: {  	_ = 	snop;
	(pc) =	sbr.ind lr, $3  }
0x3a: {  	_ = 	snop  }
0x3b: {  	_ = 	snop  }
0x3c: {  	p2 =	seq.s32 s10, $0x1;
	s10 =	sld [smem:$0x3FBA]  }
0x3d: {  	_ =	shalt  }
0x3e: {  	_ =	shalt  }
0x3f: {  	_ =	shalt  }
0x40: {  	_ =	shalt  }
0x41: {  	_ =	shalt  }
0x42: {  	_ =	shalt  }
0x43: {  	_ =	shalt  }
0x44: {  	_ =	shalt  }
0x45: {  	_ =	shalt  }
0x46: {  	_ =	shalt  }
0x47: {  	_ =	shalt  }
0x48: {  	_ =	shalt  }
0x49: {  	_ =	shalt  }
0x4a: {  	_ =	shalt  }
0x4b: {  	_ =	shalt  }
0x4c: {  	_ =	shalt  }
0x4d: {  	_ =	shalt  }
0x4e: {  	_ =	shalt  }
0x4f: {  	_ =	shalt  }
0x50: {  	_ =	shalt  }
0x51: {  	_ =	shalt  }
0x52: {  	_ =	shalt  }
0x53: {  	_ =	shalt  }
0x54: {  	_ =	shalt  }
0x55: {  	_ =	shalt  }
0x56: {  	_ =	shalt  }
0x57: {  	_ =	shalt  }
0x58: {  	_ =	shalt  }
0x59: {  	_ =	shalt  }
0x5a: {  	_ =	shalt  }
0x5b: {  	_ =	shalt  }
0x5c: {  	_ =	shalt  }
0x5d: {  	_ =	shalt  }
0x5e: {  	_ =	shalt  }
0x5f: {  	_ =	shalt  }
0x60: {  	_ =	shalt  }
0x61: {  	_ =	shalt  }
0x62: {  	_ =	shalt  }
0x63: {  	_ =	shalt  }
0x64: {  	_ =	shalt  }
0x65: {  	_ =	shalt  }
0x66: {  	_ =	shalt  }
0x67: {  	_ =	shalt  }
0x68: {  	_ =	shalt  }
0x69: {  	_ =	shalt  }
0x6a: {  	_ =	shalt  }
0x6b: {  	_ =	shalt  }
0x6c: {  	_ =	shalt  }
0x6d: {  	_ =	shalt  }
0x6e: {  	_ =	shalt  }
0x6f: {  	_ =	shalt  }
0x70: {  	_ =	shalt  }
0x71: {  	_ =	shalt  }
0x72: {  	_ =	shalt  }
0x73: {  	_ =	shalt  }
0x74: {  	_ =	shalt  }
0x75: {  	_ =	shalt  }
0x76: {  	_ =	shalt  }
0x77: {  	_ =	shalt  }
0x78: {  	_ =	shalt  }
0x79: {  	_ =	shalt  }
0x7a: {  	_ =	shalt  }
0x7b: {  	_ =	shalt  }
0x7c: {  	_ =	shalt  }
0x7d: {  	_ =	shalt  }
0x7e: {  	_ =	shalt  }
0x7f: {  	_ =	shalt  }
0x80: {  	_ =	shalt  }
0x81: {  	_ =	shalt  }
0x82: {  	_ =	shalt  }
0x83: {  	_ =	shalt  }
0x84: {  	_ =	shalt  }
0x85: {  	_ =	shalt  }
0x86: {  	_ =	shalt  }
0x87: {  	_ =	shalt  }
.Lfunc_end0:
.L_simem_size_0:
called_computation_lowered:
.L_overlay_start_0:
0x88: {  	s2 =	sld [smem:$0x3FD9]  }
0x89: {  	s3 =	sld [smem:$0x3FFE];
	_ =	sdelay $0x1  }
0x8a: {  	s1 =	srdreg.scid  }
0x8b: {  	s0 =	sand.u32 $0x1, s1  }
0x8c: {  	s18 =	sshll.u32 s0, $0xA;
	s2 =	sadd.s32 s3, s2  }
0x8d: {  	s2 =	sadd.s32 s2, s18  }
0x8e: {  	[smem:$0x3FC6] =	sst s2  }
0x8f: {  	_ = 	snop  }
0x90: {  	s2 =	sld [smem:$0x3FC9]  }
0x91: {  	s19 =	sld [smem:$0x3FC8]  }
0x92: {  	s4 =	sld [smem:$0x3FD0];
	(tm) =	ssettm $0x1  }
0x93: {  	s5 =	sld [smem:$0x3FFB];
	_ =	sdelay $0x3  }
0x94: {  	_ =	strace s5  }
0x95: {  	s5 =	sld [smem:$0x3FFC];
	_ =	sdelay $0x3  }
0x96: {  	_ =	strace s5  }
0x97: {  	s5 =	sld [smem:$0x3FFD];
	_ =	sdelay $0x3  }
0x98: {  	_ =	strace s5  }
0x99: {  	_ =	strace $0x8FFFFFFF  }
0x9a: {  	s20 =	sld [smem:$0x3FDB];
	_ =	sdelay $0x1  }
0x9b: {  	s6 =	simm.s32 $_scs_section_size  }
0x9c: {  	s7 =	simm.s32 $_size__tile_overlayer_lowered;
	s8 =	simm.s32 $_tile_overlayer_lowered  }
0x9d: {  	s23 =	simm.s32 $0x1BFF;
	s22 =	sshll.u32 s8, $0x1;
	s5 =	sadd.s32 s6, s20  }
0x9e: {  	s9 =	simm.s32 $0x0;
	s21 =	sshll.u32 s7, $0x1;
	s7 =	sadd.s32 s22, s5  }
0x9f: {  	[timem:s9], [sflag:s23] =	dma.local [hbm:s7], s21  }
0xa0: {  	_ =	swait.ge [sflag:s23], s21  }
0xa1: {  	s6 =	ssub.s32 $0x0, s21;
	[sflag:s23] =	ssyncset.done $0x0  }
0xa2: {  	[sflag:s23] =	ssyncadd.s32 s6;
	_ =	sdelay $0x1  }
0xa3: {  	s24 =	simm.s32 $0x1B8B  }
0xa4: {  	_ =	swait.ge [sflag:s24], $0x1  }
0xa5: {  	[sflag:s24] =	ssyncset.done $0x0  }
0xa6: {  	s25 =	simm.s32 $0x1B8E;
	[sflag:s24] =	ssyncadd.s32 $0xFFFFFFFF  }
0xa7: {  	s26 =	simm.s32 $execute0_lowered;
	[smem:$0x3FD2] =	sst s25  }
0xa8: {  	s6 =	sshll.u32 s26, $0x1;
	_ =	strace $0x80000046;
	[dreg:$0x1] =	wrdreg $0xFFFFFFFF  }
0xa9: {  	s28 =	simm.s32 $_size_execute0_lowered;
	s5 =	sadd.s32 s5, s6;
	[dreg:$0x0] =	wrdreg $0x0  }
0xaa: {  	s6 =	sshll.u32 s28, $0x1;
	[dreg:$0x2] =	wrdreg s5  }
0xab: {  	[dreg:$0x3] =	wrdreg s6  }
0xac: {  	[dreg:$0x4] =	wrdreg $0xC0  }
0xad: {  	_ =	task [dreg:s9], $0x5FFFF  }
0xae: {  	[dreg:$0x1] =	wrdreg $0xFFFFFFFF  }
0xaf: {  	[dreg:$0x0] =	wrdreg $0x60  }
0xb0: {  	[dreg:$0x2] =	wrdreg s2  }
0xb1: {  	[dreg:$0x3] =	wrdreg s19  }
0xb2: {  	[dreg:$0x4] =	wrdreg s4  }
0xb3: {  	[dreg:$0x5] =	wrdreg $0x9  }
0xb4: {  	_ =	task.clear_ibuf [dreg:s9], $0x6FFFF;
	_ =	strace $0x90000046  }
0xb5: {  	s29 =	simm.s32 $0x9;
	_ =	strace $0x80000048  }
0xb6: {  	_ =	swait.ge [sflag:s29], $0x1  }
0xb7: {  	[sflag:s29] =	ssyncadd.s32 $0xFFFFFFFF  }
0xb8: {  	_ =	strace $0x90000048  }
0xb9: {  	_ =	sfence  }
0xba: {  	s30 =	sld [smem:$0x0];
	_ =	sdelay $0x2  }
0xbb: {  	s31 =	sshll.u32 s1, $0xD;
	s1 =	sshrl.u32 s1, $0x2  }
0xbc: {  	s3 =	sand.u32 $0x4000, s31;
	s1 =	sadd.s32 s1, s30  }
0xbd: {  	s0 =	sor.u32 s3, s0;
	s1 =	sshll.u32 s1, $0x11  }
0xbe: {  	s0 =	sor.u32 s1, s0  }
0xbf: {  	s0 =	sadd.s32 $0x8F2B, s0  }
0xc0: {  	[sflag:s0] =	ssyncadd.remote.s32 $0x1  }
0xc1: {  	_ =	sfence.sel $0xFFFF  }
0xc2: {  	[dreg:$0x0] =	wrdreg $0xFFFFFFFF;
	(pc) =	sbr.abs _section_cstart, $3  }
0xc3: {  	[dreg:$0x1] =	wrdreg $0xFFFFFFFF  }
0xc4: {  	_ =	task.clear_ibuf [dreg:s9], $0x2FFFF;
	_ =	strace $0x9FFFFFFF  }
0xc5: {  	(tm) =	ssettm $0x7FFFFFFF  }
tec
execute0_lowered:
.L_overlay_start_1:
0x0: {  	(tag) =	ssettag $0x1  }
0x1: {  	s2 =	rddreg [dreg:$0x0]  }
0x2: {  	s8 =	rddreg [dreg:$0x1];
	s0 =	srdreg.scid  }
0x3: {  	s9 =	rddreg [dreg:$0x2];
	s1 =	stileid.u32  }
0x4: {  	s3 =	simm.s32 $0x0;
	s14 =	simm.s32 $0x100;
	s15 =	simm.s32 $0x8200  }
0x5: {  	s16 =	simm.s32 $0x1;
	s17 =	simm.s32 $0x180;
	s18 =	simm.s32 $0xC200  }
0x6: {  	s19 =	simm.s32 $0x2;
	s20 =	simm.s32 $0x4;
	s21 =	simm.s32 $0x5  }
0x7: {  	s22 =	simm.s32 $0x6;
	s23 =	simm.s32 $0x7;
	s24 =	simm.s32 $0x8  }
0x8: {  	s25 =	simm.s32 $0x0;
	s10 =	sand.u32 $0x1, s0;
	s11 =	sshll.u32 s1, $0x5  }
0x9: {  	[smem:$0x7FF] =	sst s3;
	s13 =	sshll.u32 s1, $0xC;
	s12 =	sshll.u32 s10, $0x4  }
0xa: {  	s5 =	ssub.s32 $0x2, s10;
	_ =	strace $0x80000047;
	s9 =	sadd.s32 s13, s9  }
0xb: {  	s10 =	sshll.u32 s10, $0xB;
	s13 =	simm.s32 $0x4200;
	s4 =	sor.u32 s12, s11  }
.Ltmp0:
0xc: {  	s6 =	sshrl.u32 s5, $0x1;
	s9 =	sadd.s32 s10, s9;
	(pc) =	sbr.rel .LBB2_1-.Ltmp0, $4  }
0xd: {  	s10 =	simm.s32 $0x9;
	s4 =	sadd.s32 s8, s4;
	s7 =	ssub.s32 s5, s6  }
0xe: {  	s8 =	sadd.s32 s11, s8;
	s11 =	simm.s32 $0x80;
	s30 =	sadd.s32 $0x200, s4  }
0xf: {  	s31 =	sadd.s32 $0x400, s4;
	s7 =	smax.u32 s7, $0x1;
	[dreg:$0x4] =	wrdreg s30  }
0x10: {  	s8 =	sadd.s32 s12, s8;
	s12 =	simm.s32 $0x200;
	[dreg:$0x5] =	wrdreg s31  }
.LBB2_4:
0x11: {  	_ =	swait.ge [sflag:s21], $0x4000  }
0x12: {  	[sflag:s21] =	ssyncset.done $0x0  }
0x13: {  	[sflag:s21] =	ssyncadd.s32 $0xFFFFC000  }
0x14: {  	_ =	swait.ge [sflag:s22], $0x4000  }
0x15: {  	[sflag:s22] =	ssyncset.done $0x0  }
0x16: {  	s25 =	sadd.s32 $0x1, s25;
	[sflag:s22] =	ssyncadd.s32 $0xFFFFC000  }
0x17: {  	p0 =	sne.s32 s25, s7;
	_ =	swait.ge [sflag:s23], $0x4000  }
.Ltmp1:
0x18: {  	[sflag:s23] =	ssyncset.done $0x0;
	(pc) =	sbr.rel @!p0 .LBB2_5-.Ltmp1, $4  }
0x19: {  	[sflag:s23] =	ssyncadd.s32 $0xFFFFC000  }
0x1a: {  	_ =	swait.ge [sflag:s24], $0x4000  }
0x1b: {  	[sflag:s24] =	ssyncset.done $0x0  }
0x1c: {  	[sflag:s24] =	ssyncadd.s32 $0xFFFFC000  }
.LBB2_1:
0x1d: {  	[tilespmem:s3], [sflag:$0x9] =	stream.linear.gather [hbm4b:s4+s3], $0x80, $0x38;
	[tilespmem:$0x10200] =	vst v63  }
0x1e: {  	_ =	swait.ge [sflag:s10], $0x80  }
0x1f: {  	[sflag:s10] =	ssyncset.done $0x0  }
0x20: {  	[sflag:s10] =	ssyncadd.s32 $0xFFFFFF80  }
0x21: {  	[tilespmem:s12], [sflag:$0x1] =	stream.indirect.gather [hbm4b:s2+s11], $0x80, s3, s11, $0xb8;
	[tilespmem:$0x10200] =	vst v63  }
0x22: {  	s0 =	rddreg [dreg:$0x4]  }
0x23: {  	[tilespmem:s11], [sflag:$0x9] =	stream.linear.gather [hbm4b:s0+s3], $0x80, $0x38;
	[tilespmem:$0x10200] =	vst v63  }
0x24: {  	_ =	swait.ge [sflag:s10], $0x80  }
0x25: {  	[sflag:s10] =	ssyncset.done $0x0  }
0x26: {  	[sflag:s10] =	ssyncadd.s32 $0xFFFFFF80  }
0x27: {  	[tilespmem:s13], [sflag:$0x2] =	stream.indirect.gather [hbm4b:s2+s11], $0x80, s11, s11, $0xb8;
	[tilespmem:$0x10200] =	vst v63  }
0x28: {  	s31 =	rddreg [dreg:$0x5]  }
0x29: {  	[tilespmem:s14], [sflag:$0x9] =	stream.linear.gather [hbm4b:s31+s3], $0x80, $0x38;
	[tilespmem:$0x10200] =	vst v63  }
0x2a: {  	_ =	swait.ge [sflag:s10], $0x80  }
0x2b: {  	[sflag:s10] =	ssyncset.done $0x0  }
0x2c: {  	s26 =	smov.u32 s9;
	s28 =	simm.s32 $0x0;
	[sflag:s10] =	ssyncadd.s32 $0xFFFFFF80  }
0x2d: {  	[tilespmem:s15], [sflag:$0x3] =	stream.indirect.gather [hbm4b:s2+s11], $0x80, s14, s11, $0xb8;
	[tilespmem:$0x10200] =	vst v63  }
.LBB2_2:
0x2e: {  	_ =	swait.ge [sflag:s16], $0x4000  }
0x2f: {  	[sflag:s16] =	ssyncset.done $0x0  }
0x30: {  	s29 =	sadd.s32 s28, s8;
	[sflag:s16] =	ssyncadd.s32 $0xFFFFC000  }
0x31: {  	[hbm4b:s26+s3] =	stream.linear.scatter [tilespmem:s12], [sflag:$0x5], $0x4000, $0x38;
	[tilespmem:$0x10200] =	vst v63  }
0x32: {  	s30 =	sadd.s32 $0x600, s29  }
0x33: {  	[tilespmem:s17], [sflag:$0x9] =	stream.linear.gather [hbm4b:s30+s3], $0x80, $0x38;
	[tilespmem:$0x10200] =	vst v63  }
0x34: {  	_ =	swait.ge [sflag:s10], $0x80  }
0x35: {  	p0 =	seq.s32 s28, $0x0;
	[sflag:s10] =	ssyncset.done $0x0  }
0x36: {  	s30 =	simm.s32 @!p0 $0x8;
	[sflag:s10] =	ssyncadd.s32 $0xFFFFFF80  }
0x37: {  	_ =	swait.ge @!p0 [sflag:s30], $0x4000  }
0x38: {  	[sflag:s30] =	ssyncset.done @!p0 $0x0  }
0x39: {  	[sflag:s30] =	ssyncadd.s32 @!p0 $0xFFFFC000  }
0x3a: {  	[tilespmem:s18], [sflag:$0x4] =	stream.indirect.gather [hbm4b:s2+s11], $0x80, s17, s11, $0xb8;
	[tilespmem:$0x10200] =	vst v63  }
0x3b: {  	_ =	swait.ge [sflag:s19], $0x4000  }
0x3c: {  	p0 =	seq.s32 s28, $0x4800;
	[sflag:s19] =	ssyncset.done $0x0  }
0x3d: {  	s6 =	sadd.s32 $0x10000, s26;
	s30 =	simm.s32 @p0 $0x3;
	[sflag:s19] =	ssyncadd.s32 $0xFFFFC000  }
0x3e: {  	[hbm4b:s6+s3] =	stream.linear.scatter [tilespmem:s13], [sflag:$0x6], $0x4000, $0x38;
	[tilespmem:$0x10200] =	vst v63  }
0x3f: {  	_ =	swait.ge @p0 [sflag:s30], $0x4000  }
0x40: {  	s31 =	simm.s32 @p0 $0x0;
	[sflag:s30] =	ssyncset.done @p0 $0x0  }
0x41: {  	s0 =	simm.s32 @p0 $0x8200;
	[sflag:s30] =	ssyncadd.s32 @p0 $0xFFFFC000;
	s30 =	sadd.s32 @p0 $0x20000, s26  }
0x42: {  	[hbm4b:s30+s31] =	stream.linear.scatter @p0 [tilespmem:s0], [sflag:$0x7], $0x4000, $0x38;
	[tilespmem:$0x10200] =	vst v63  }
0x43: {  	s0 =	sadd.s32 @!p0 s28, s8  }
0x44: {  	s31 =	simm.s32 @!p0 $0x0;
	s30 =	sadd.s32 @!p0 $0x800, s0  }
0x45: {  	[tilespmem:s31], [sflag:$0x9] =	stream.linear.gather @!p0 [hbm4b:s30+s31], $0x80, $0x38;
	[tilespmem:$0x10200] =	vst v63  }
0x46: {  	s30 =	simm.s32 @!p0 $0x9  }
0x47: {  	_ =	swait.ge @!p0 [sflag:s30], $0x80  }
0x48: {  	[sflag:s30] =	ssyncset.done @!p0 $0x0  }
0x49: {  	s1 =	simm.s32 @!p0 $0x5;
	[sflag:s30] =	ssyncadd.s32 @!p0 $0xFFFFFF80  }
0x4a: {  	_ =	swait.ge @!p0 [sflag:s1], $0x4000  }
0x4b: {  	[sflag:s1] =	ssyncset.done @!p0 $0x0  }
0x4c: {  	s5 =	simm.s32 @!p0 $0x200;
	[sflag:s1] =	ssyncadd.s32 @!p0 $0xFFFFC000;
	s1 =	simm.s32 @!p0 $0x80  }
0x4d: {  	[tilespmem:s5], [sflag:$0x1] =	stream.indirect.gather @!p0 [hbm4b:s2+s1], $0x80, s31, s1, $0xb8;
	[tilespmem:$0x10200] =	vst v63  }
0x4e: {  	s5 =	simm.s32 @!p0 $0x3  }
0x4f: {  	_ =	swait.ge @!p0 [sflag:s5], $0x4000  }
0x50: {  	[sflag:s5] =	ssyncset.done @!p0 $0x0  }
0x51: {  	s6 =	simm.s32 @!p0 $0x8200;
	[sflag:s5] =	ssyncadd.s32 @!p0 $0xFFFFC000;
	s5 =	sadd.s32 @!p0 $0x20000, s26  }
0x52: {  	[hbm4b:s5+s31] =	stream.linear.scatter @!p0 [tilespmem:s6], [sflag:$0x7], $0x4000, $0x38;
	[tilespmem:$0x10200] =	vst v63  }
0x53: {  	s0 =	sadd.s32 @!p0 $0xA00, s0  }
0x54: {  	[tilespmem:s1], [sflag:$0x9] =	stream.linear.gather @!p0 [hbm4b:s0+s31], $0x80, $0x38;
	[tilespmem:$0x10200] =	vst v63  }
0x55: {  	_ =	swait.ge @!p0 [sflag:s30], $0x80  }
0x56: {  	[sflag:s30] =	ssyncset.done @!p0 $0x0  }
0x57: {  	s0 =	simm.s32 @!p0 $0x6;
	[sflag:s30] =	ssyncadd.s32 @!p0 $0xFFFFFF80  }
0x58: {  	_ =	swait.ge @!p0 [sflag:s0], $0x4000  }
0x59: {  	[sflag:s0] =	ssyncset.done @!p0 $0x0  }
0x5a: {  	[sflag:s0] =	ssyncadd.s32 @!p0 $0xFFFFC000;
	s0 =	simm.s32 @!p0 $0x4200  }
0x5b: {  	[tilespmem:s0], [sflag:$0x2] =	stream.indirect.gather @!p0 [hbm4b:s2+s1], $0x80, s1, s1, $0xb8;
	[tilespmem:$0x10200] =	vst v63  }
.Ltmp2:
0x5c: {  	_ = 	snop;
	(pc) =	sbr.rel @p0 .LBB2_4-.Ltmp2, $4  }
0x5d: {  	_ =	swait.ge [sflag:s20], $0x4000  }
0x5e: {  	[sflag:s20] =	ssyncset.done $0x0  }
0x5f: {  	s31 =	sadd.s32 $0x30000, s26;
	[sflag:s20] =	ssyncadd.s32 $0xFFFFC000  }
0x60: {  	[hbm4b:s31+s3] =	stream.linear.scatter [tilespmem:s18], [sflag:$0x8], $0x4000, $0x38;
	[tilespmem:$0x10200] =	vst v63  }
0x61: {  	s0 =	sadd.s32 $0xC00, s29  }
0x62: {  	[tilespmem:s14], [sflag:$0x9] =	stream.linear.gather [hbm4b:s0+s3], $0x80, $0x38;
	[tilespmem:$0x10200] =	vst v63  }
0x63: {  	_ =	swait.ge [sflag:s10], $0x80  }
0x64: {  	[sflag:s10] =	ssyncset.done $0x0  }
.Ltmp3:
0x65: {  	[sflag:s10] =	ssyncadd.s32 $0xFFFFFF80;
	(pc) =	sbr.rel .LBB2_2-.Ltmp3, $4  }
0x66: {  	_ =	swait.ge [sflag:s23], $0x4000  }
0x67: {  	[sflag:s23] =	ssyncset.done $0x0  }
0x68: {  	s28 =	sadd.s32 $0x800, s28;
	s26 =	sadd.s32 $0x40000, s26;
	[sflag:s23] =	ssyncadd.s32 $0xFFFFC000  }
0x69: {  	[tilespmem:s15], [sflag:$0x3] =	stream.indirect.gather [hbm4b:s2+s11], $0x80, s14, s11, $0xb8;
	[tilespmem:$0x10200] =	vst v63  }
.LBB2_5:
0x6a: {  	_ =	sfence.sel $0x180000  }
0x6b: {  	[bflag:$0x0] =	sbarrier.arrive $0xFFFF  }
0x6c: {  	_ =	strace $0x90000047  }
0x6d: {  	s0 =	stileid.u32;
	[bflag:$0x2] =	sbarrier.arrive $0xFFFF  }
0x6e: {  	p0 =	sne.s32 s0, $0x0;
	s0 =	rddreg [dreg:$0x3]  }
0x6f: {  	s0 =	sadd.s32 @!p0 $0x100000, s0  }
0x70: {  	[sflag:s0] =	ssyncadd.tile.s32 @!p0 $0x1;
	_ =	shalt  }
.Lfunc_end2:
_tile_overlayer_lowered:
.L_overlay_start_2:
0x71: {  	(tag) =	ssettag $0x2  }
0x72: {  	s0 =	rddreg [dreg:$0x0];
	s2 =	stileid.u32  }
0x73: {  	s1 =	rddreg [dreg:$0x1];
	p0 =	sne.s32 s2, $0x0  }
0x74: {  	s3 =	rddreg [dreg:$0x2];
	[bflag:$0x3] =	sbarrier.arrive $0xFFFF;
	s2 =	simm.s32 @!p0 $0x1C09  }
0x75: {  	[timem:s3], [sflag:s2] =	dma.local @!p0 [hbm:s0], s1  }
0x76: {  	s0 =	simm.s32 @!p0 $0x9  }
0x77: {  	_ =	swait.ge @!p0 [sflag:s0], s1  }
0x78: {  	s1 =	ssub.s32 @!p0 $0x0, s1;
	[sflag:s0] =	ssyncset.done @!p0 $0x0  }
0x79: {  	[sflag:s0] =	ssyncadd.s32 @!p0 s1  }
0x7a: {  	[bflag:$0x3] =	sbarrier.arrive $0xFFFF  }
0x7b: {  	_ =	shalt  }

</sc_bundles>
